<compile_context>
chip_gen: v7x
topology: tpu7x:2x2x1
jax: 0.10.2.dev20260603
libtpu: 0.0.44.dev20260713+nightly
codegen_flags: <defaults>
</compile_context>

<pallas_src>
import functools

import jax
import jax.numpy as jnp
from jax import lax
from jax.experimental import pallas as pl
from jax.experimental.pallas import tpu as pltpu
from jax.experimental.pallas import tpu_sc as plsc

VOCAB = 100000
EMBED_DIM = 64
BATCH = 4096
SEQ = 200

NUM_WORKERS = 32
ROWS_PER_W = BATCH // NUM_WORKERS
BLOCKS_PER_W = ROWS_PER_W // 16

_RB = 51200
_NB = -(-VOCAB // _RB)
_INV_SEQ = 1.0 / SEQ


def _score_body(t_ref, w_ref, b_ref, o_ref):
    t = t_ref[...]
    w = w_ref[...] * _INV_SEQ
    s = jax.lax.dot_general(w, t, (((1,), (0,)), ((), ())),
                            preferred_element_type=jnp.float32)
    o_ref[...] = (s + b_ref[0, 0] * _INV_SEQ).reshape(1, 1, _RB)


_score = pl.pallas_call(
    _score_body,
    grid=(_NB,),
    in_specs=[
        pl.BlockSpec((EMBED_DIM, _RB), lambda i: (0, i)),
        pl.BlockSpec((1, EMBED_DIM), lambda i: (0, 0)),
        pl.BlockSpec(memory_space=pltpu.SMEM),
    ],
    out_specs=pl.BlockSpec((1, 1, _RB), lambda i: (i, 0, 0)),
    out_shape=jax.ShapeDtypeStruct((_NB, 1, _RB), jnp.float32),
)


_NCHUNK = 5
_CHUNK = VOCAB // _NCHUNK


def _pool_body(s_hbm, xt_hbm, out_hbm, s_v, x_v, o_v, sem):
    wid = lax.axis_index("s") * 2 + lax.axis_index("c")
    cps = []
    for k in range(_NCHUNK):
        start = lax.rem(wid + k, _NCHUNK) * _CHUNK
        cps.append(pltpu.async_copy(s_hbm.at[pl.ds(start, _CHUNK)],
                                    s_v.at[pl.ds(start, _CHUNK)], sem))
    pltpu.sync_copy(xt_hbm.at[:, pl.ds(wid * ROWS_PER_W, ROWS_PER_W)],
                    x_v)
    for cp in cps:
        cp.wait()

    def body(l, accs):
        new = []
        for j in range(BLOCKS_PER_W):
            xv = x_v[l, pl.ds(j * 16, 16)]
            new.append(accs[j] + plsc.load_gather(s_v, [xv]))
        return tuple(new)

    zero = jnp.zeros((16,), jnp.float32)
    accs = lax.fori_loop(0, SEQ, body, (zero,) * BLOCKS_PER_W)
    for j in range(BLOCKS_PER_W):
        o_v[pl.ds(j * 16, 16)] = accs[j]
    pltpu.sync_copy(o_v, out_hbm.at[pl.ds(wid * ROWS_PER_W, ROWS_PER_W)])


_pool = functools.partial(
    pl.kernel,
    mesh=plsc.VectorSubcoreMesh(core_axis_name="c", subcore_axis_name="s"),
    compiler_params=pltpu.CompilerParams(needs_layout_passes=False),
    out_type=jax.ShapeDtypeStruct((BATCH,), jnp.float32),
    scratch_types=[
        pltpu.VMEM((VOCAB,), jnp.float32),
        pltpu.VMEM((SEQ, ROWS_PER_W), jnp.int32),
        pltpu.VMEM((ROWS_PER_W,), jnp.float32),
        pltpu.SemaphoreType.DMA,
    ],
)(_pool_body)


def kernel(x, table, W, b):
    s = _score(table.T, W.astype(jnp.float32),
               b.astype(jnp.float32).reshape(1, 1)).reshape(_NB * _RB)
    return _pool(s, x.astype(jnp.int32).T)

# --- scband reference (transcript-rebuilt; emitter-appended) ---
"""Pipeline reference for scband-logistic-regression-90314572301132 (READ-ONLY COPY).

The authoritative reference and input builder live on the scoring server;
editing this copy changes nothing except your own understanding.
"""

import jax, jax.numpy as jnp
import numpy as np

VOCAB = 100000
EMBED_DIM = 64
BATCH = 4096
SEQ = 200
PAD_IDX = 0

def setup_inputs(seed: int = 0) -> dict:
    key = jax.random.key(seed)
    k1, k2, k3 = jax.random.split(key, 3)
    x = jax.random.randint(k1, (BATCH, SEQ), 0, VOCAB)
    table = jax.random.normal(k2, (VOCAB, EMBED_DIM), dtype=jnp.float32) * 0.02
    table = table.at[PAD_IDX].set(0.0)  # padding_idx row is zeros, as in nn.Embedding
    W = jax.random.normal(k3, (1, EMBED_DIM), dtype=jnp.float32) * 0.05
    b = jnp.zeros((1,), dtype=jnp.float32)
    return {"x": x, "table": table, "W": W, "b": b}

def reference(x, table, W, b):
    # embedded = self.embedding(x)
    embedded = jnp.take(table, x, axis=0)          # [B, L, D]
    # pooled = embedded.mean(dim=1)
    pooled = embedded.mean(axis=1)                 # [B, D]
    # self.fc(pooled).squeeze(1)
    out = pooled @ W.T + b                         # [B, 1]
    return out.squeeze(1)                          # [B]

if __name__ == "__main__":
    import jax
    _d = setup_inputs()
    print(jax.jit(kernel)(*tuple(_d.values())))

</pallas_src>

<mosaic_0001>
#map = affine_map<(d0, d1) -> (0)>
#map1 = affine_map<(d0, d1) -> (0, 0)>
module attributes {stable_mosaic.version = 14 : i64} {
  func.func @_pool_body(%arg0: i32, %arg1: i32, %arg2: memref<102400xf32, #tpu.memory_space<hbm>>, %arg3: memref<200x4096xi32, #tpu.memory_space<hbm>>, %arg4: memref<4096xf32, #tpu.memory_space<hbm>>, %arg5: memref<100000xf32, #tpu.memory_space<vmem>>, %arg6: memref<200x128xi32, #tpu.memory_space<vmem>>, %arg7: memref<128xf32, #tpu.memory_space<vmem>>, %arg8: memref<!tpu.dma_semaphore, #tpu.memory_space<semaphore_mem>>) attributes {dimension_semantics = [#tpu.dimension_semantics<core_parallel>, #tpu.dimension_semantics<subcore_parallel>], iteration_bounds = array<i64: 2, 16>, scalar_prefetch = 0 : i64, scratch_operands = 4 : i64, tpu.core_type = #tpu.core_type<sc_vector_subcore>, window_params = [{transform_indices = #map}, {transform_indices = #map1}, {transform_indices = #map}]} {
    %mul3A = arith.constant 2 : i32
    %mul3A_0 = arith.muli %arg1, %mul3A : i32
    %add3A = arith.addi %mul3A_0, %arg0 : i32
    %add3A_1 = arith.constant 0 : i32
    %add3A_2 = arith.addi %add3A, %add3A_1 : i32
    %rem3A = arith.constant 5 : i32
    %rem3A_3 = arith.remsi %add3A_2, %rem3A : i32
    %mul3A_4 = arith.constant 20000 : i32
    %mul3A_5 = arith.muli %rem3A_3, %mul3A_4 : i32
    %dma_start3A = tpu.memref_slice %arg5[%mul3A_5] : memref<100000xf32, #tpu.memory_space<vmem>> -> memref<20000xf32, #tpu.memory_space<vmem>>
    %dma_start3A_6 = tpu.memref_slice %arg2[%mul3A_5] : memref<102400xf32, #tpu.memory_space<hbm>> -> memref<20000xf32, #tpu.memory_space<hbm>>
    %dma_start3A_7 = tpu.memref_slice %arg5[%mul3A_5] : memref<100000xf32, #tpu.memory_space<vmem>> -> memref<20000xf32, #tpu.memory_space<vmem>>
    %dma_start3A_8 = tpu.memref_slice %arg2[%mul3A_5] : memref<102400xf32, #tpu.memory_space<hbm>> -> memref<20000xf32, #tpu.memory_space<hbm>>
    tpu.enqueue_dma source(%dma_start3A_8 : memref<20000xf32, #tpu.memory_space<hbm>>) target(%dma_start3A_7 : memref<20000xf32, #tpu.memory_space<vmem>>) target_semaphore(%arg8 : memref<!tpu.dma_semaphore, #tpu.memory_space<semaphore_mem>>)
    %add3A_9 = arith.constant 1 : i32
    %add3A_10 = arith.addi %add3A, %add3A_9 : i32
    %rem3A_11 = arith.constant 5 : i32
    %rem3A_12 = arith.remsi %add3A_10, %rem3A_11 : i32
    %mul3A_13 = arith.constant 20000 : i32
    %mul3A_14 = arith.muli %rem3A_12, %mul3A_13 : i32
    %dma_start3A_15 = tpu.memref_slice %arg5[%mul3A_14] : memref<100000xf32, #tpu.memory_space<vmem>> -> memref<20000xf32, #tpu.memory_space<vmem>>
    %dma_start3A_16 = tpu.memref_slice %arg2[%mul3A_14] : memref<102400xf32, #tpu.memory_space<hbm>> -> memref<20000xf32, #tpu.memory_space<hbm>>
    %dma_start3A_17 = tpu.memref_slice %arg5[%mul3A_14] : memref<100000xf32, #tpu.memory_space<vmem>> -> memref<20000xf32, #tpu.memory_space<vmem>>
    %dma_start3A_18 = tpu.memref_slice %arg2[%mul3A_14] : memref<102400xf32, #tpu.memory_space<hbm>> -> memref<20000xf32, #tpu.memory_space<hbm>>
    tpu.enqueue_dma source(%dma_start3A_18 : memref<20000xf32, #tpu.memory_space<hbm>>) target(%dma_start3A_17 : memref<20000xf32, #tpu.memory_space<vmem>>) target_semaphore(%arg8 : memref<!tpu.dma_semaphore, #tpu.memory_space<semaphore_mem>>)
    %add3A_19 = arith.constant 2 : i32
    %add3A_20 = arith.addi %add3A, %add3A_19 : i32
    %rem3A_21 = arith.constant 5 : i32
    %rem3A_22 = arith.remsi %add3A_20, %rem3A_21 : i32
    %mul3A_23 = arith.constant 20000 : i32
    %mul3A_24 = arith.muli %rem3A_22, %mul3A_23 : i32
    %dma_start3A_25 = tpu.memref_slice %arg5[%mul3A_24] : memref<100000xf32, #tpu.memory_space<vmem>> -> memref<20000xf32, #tpu.memory_space<vmem>>
    %dma_start3A_26 = tpu.memref_slice %arg2[%mul3A_24] : memref<102400xf32, #tpu.memory_space<hbm>> -> memref<20000xf32, #tpu.memory_space<hbm>>
    %dma_start3A_27 = tpu.memref_slice %arg5[%mul3A_24] : memref<100000xf32, #tpu.memory_space<vmem>> -> memref<20000xf32, #tpu.memory_space<vmem>>
    %dma_start3A_28 = tpu.memref_slice %arg2[%mul3A_24] : memref<102400xf32, #tpu.memory_space<hbm>> -> memref<20000xf32, #tpu.memory_space<hbm>>
    tpu.enqueue_dma source(%dma_start3A_28 : memref<20000xf32, #tpu.memory_space<hbm>>) target(%dma_start3A_27 : memref<20000xf32, #tpu.memory_space<vmem>>) target_semaphore(%arg8 : memref<!tpu.dma_semaphore, #tpu.memory_space<semaphore_mem>>)
    %add3A_29 = arith.constant 3 : i32
    %add3A_30 = arith.addi %add3A, %add3A_29 : i32
    %rem3A_31 = arith.constant 5 : i32
    %rem3A_32 = arith.remsi %add3A_30, %rem3A_31 : i32
    %mul3A_33 = arith.constant 20000 : i32
    %mul3A_34 = arith.muli %rem3A_32, %mul3A_33 : i32
    %dma_start3A_35 = tpu.memref_slice %arg5[%mul3A_34] : memref<100000xf32, #tpu.memory_space<vmem>> -> memref<20000xf32, #tpu.memory_space<vmem>>
    %dma_start3A_36 = tpu.memref_slice %arg2[%mul3A_34] : memref<102400xf32, #tpu.memory_space<hbm>> -> memref<20000xf32, #tpu.memory_space<hbm>>
    %dma_start3A_37 = tpu.memref_slice %arg5[%mul3A_34] : memref<100000xf32, #tpu.memory_space<vmem>> -> memref<20000xf32, #tpu.memory_space<vmem>>
    %dma_start3A_38 = tpu.memref_slice %arg2[%mul3A_34] : memref<102400xf32, #tpu.memory_space<hbm>> -> memref<20000xf32, #tpu.memory_space<hbm>>
    tpu.enqueue_dma source(%dma_start3A_38 : memref<20000xf32, #tpu.memory_space<hbm>>) target(%dma_start3A_37 : memref<20000xf32, #tpu.memory_space<vmem>>) target_semaphore(%arg8 : memref<!tpu.dma_semaphore, #tpu.memory_space<semaphore_mem>>)
    %add3A_39 = arith.constant 4 : i32
    %add3A_40 = arith.addi %add3A, %add3A_39 : i32
    %rem3A_41 = arith.constant 5 : i32
    %rem3A_42 = arith.remsi %add3A_40, %rem3A_41 : i32
    %mul3A_43 = arith.constant 20000 : i32
    %mul3A_44 = arith.muli %rem3A_42, %mul3A_43 : i32
    %dma_start3A_45 = tpu.memref_slice %arg5[%mul3A_44] : memref<100000xf32, #tpu.memory_space<vmem>> -> memref<20000xf32, #tpu.memory_space<vmem>>
    %dma_start3A_46 = tpu.memref_slice %arg2[%mul3A_44] : memref<102400xf32, #tpu.memory_space<hbm>> -> memref<20000xf32, #tpu.memory_space<hbm>>
    %dma_start3A_47 = tpu.memref_slice %arg5[%mul3A_44] : memref<100000xf32, #tpu.memory_space<vmem>> -> memref<20000xf32, #tpu.memory_space<vmem>>
    %dma_start3A_48 = tpu.memref_slice %arg2[%mul3A_44] : memref<102400xf32, #tpu.memory_space<hbm>> -> memref<20000xf32, #tpu.memory_space<hbm>>
    tpu.enqueue_dma source(%dma_start3A_48 : memref<20000xf32, #tpu.memory_space<hbm>>) target(%dma_start3A_47 : memref<20000xf32, #tpu.memory_space<vmem>>) target_semaphore(%arg8 : memref<!tpu.dma_semaphore, #tpu.memory_space<semaphore_mem>>)
    %mul3A_49 = arith.constant 128 : i32
    %mul3A_50 = arith.muli %add3A, %mul3A_49 : i32
    "tpu.region"() ({
      %run_scoped3A = tpu.sem_alloc : memref<!tpu.dma_semaphore, #tpu.memory_space<semaphore_mem>>
      %dma_start3A_93 = arith.constant 0 : i32
      %dma_start3A_94 = tpu.memref_slice %arg3[%dma_start3A_93, %mul3A_50] : memref<200x4096xi32, #tpu.memory_space<hbm>> -> memref<200x128xi32, #tpu.memory_space<hbm>>
      %dma_start3A_95 = arith.constant 0 : i32
      %dma_start3A_96 = tpu.memref_slice %arg3[%dma_start3A_95, %mul3A_50] : memref<200x4096xi32, #tpu.memory_space<hbm>> -> memref<200x128xi32, #tpu.memory_space<hbm>>
      tpu.enqueue_dma source(%dma_start3A_96 : memref<200x128xi32, #tpu.memory_space<hbm>>) target(%arg6 : memref<200x128xi32, #tpu.memory_space<vmem>>) target_semaphore(%run_scoped3A : memref<!tpu.dma_semaphore, #tpu.memory_space<semaphore_mem>>)
      %dma_wait3A_97 = arith.constant 0 : i32
      %dma_wait3A_98 = tpu.memref_slice %arg3[%dma_wait3A_97, %mul3A_50] : memref<200x4096xi32, #tpu.memory_space<hbm>> -> memref<200x128xi32, #tpu.memory_space<hbm>>
      %dma_wait3A_99 = arith.constant 0 : i32
      %dma_wait3A_100 = tpu.memref_slice %arg3[%dma_wait3A_99, %mul3A_50] : memref<200x4096xi32, #tpu.memory_space<hbm>> -> memref<200x128xi32, #tpu.memory_space<hbm>>
      tpu.wait_dma2 semaphore(%run_scoped3A : memref<!tpu.dma_semaphore, #tpu.memory_space<semaphore_mem>>) src(%dma_wait3A_100 : memref<200x128xi32, #tpu.memory_space<hbm>>) dst(%arg6 : memref<200x128xi32, #tpu.memory_space<vmem>>)
      tpu.yield
    }) : () -> ()
    %dma_wait3A = tpu.memref_slice %arg5[%mul3A_5] : memref<100000xf32, #tpu.memory_space<vmem>> -> memref<20000xf32, #tpu.memory_space<vmem>>
    %dma_wait3A_51 = tpu.memref_slice %arg2[%mul3A_5] : memref<102400xf32, #tpu.memory_space<hbm>> -> memref<20000xf32, #tpu.memory_space<hbm>>
    %dma_wait3A_52 = tpu.memref_slice %arg5[%mul3A_5] : memref<100000xf32, #tpu.memory_space<vmem>> -> memref<20000xf32, #tpu.memory_space<vmem>>
    %dma_wait3A_53 = tpu.memref_slice %arg2[%mul3A_5] : memref<102400xf32, #tpu.memory_space<hbm>> -> memref<20000xf32, #tpu.memory_space<hbm>>
    tpu.wait_dma2 semaphore(%arg8 : memref<!tpu.dma_semaphore, #tpu.memory_space<semaphore_mem>>) src(%dma_wait3A_53 : memref<20000xf32, #tpu.memory_space<hbm>>) dst(%dma_wait3A_52 : memref<20000xf32, #tpu.memory_space<vmem>>)
    %dma_wait3A_54 = tpu.memref_slice %arg5[%mul3A_14] : memref<100000xf32, #tpu.memory_space<vmem>> -> memref<20000xf32, #tpu.memory_space<vmem>>
    %dma_wait3A_55 = tpu.memref_slice %arg2[%mul3A_14] : memref<102400xf32, #tpu.memory_space<hbm>> -> memref<20000xf32, #tpu.memory_space<hbm>>
    %dma_wait3A_56 = tpu.memref_slice %arg5[%mul3A_14] : memref<100000xf32, #tpu.memory_space<vmem>> -> memref<20000xf32, #tpu.memory_space<vmem>>
    %dma_wait3A_57 = tpu.memref_slice %arg2[%mul3A_14] : memref<102400xf32, #tpu.memory_space<hbm>> -> memref<20000xf32, #tpu.memory_space<hbm>>
    tpu.wait_dma2 semaphore(%arg8 : memref<!tpu.dma_semaphore, #tpu.memory_space<semaphore_mem>>) src(%dma_wait3A_57 : memref<20000xf32, #tpu.memory_space<hbm>>) dst(%dma_wait3A_56 : memref<20000xf32, #tpu.memory_space<vmem>>)
    %dma_wait3A_58 = tpu.memref_slice %arg5[%mul3A_24] : memref<100000xf32, #tpu.memory_space<vmem>> -> memref<20000xf32, #tpu.memory_space<vmem>>
    %dma_wait3A_59 = tpu.memref_slice %arg2[%mul3A_24] : memref<102400xf32, #tpu.memory_space<hbm>> -> memref<20000xf32, #tpu.memory_space<hbm>>
    %dma_wait3A_60 = tpu.memref_slice %arg5[%mul3A_24] : memref<100000xf32, #tpu.memory_space<vmem>> -> memref<20000xf32, #tpu.memory_space<vmem>>
    %dma_wait3A_61 = tpu.memref_slice %arg2[%mul3A_24] : memref<102400xf32, #tpu.memory_space<hbm>> -> memref<20000xf32, #tpu.memory_space<hbm>>
    tpu.wait_dma2 semaphore(%arg8 : memref<!tpu.dma_semaphore, #tpu.memory_space<semaphore_mem>>) src(%dma_wait3A_61 : memref<20000xf32, #tpu.memory_space<hbm>>) dst(%dma_wait3A_60 : memref<20000xf32, #tpu.memory_space<vmem>>)
    %dma_wait3A_62 = tpu.memref_slice %arg5[%mul3A_34] : memref<100000xf32, #tpu.memory_space<vmem>> -> memref<20000xf32, #tpu.memory_space<vmem>>
    %dma_wait3A_63 = tpu.memref_slice %arg2[%mul3A_34] : memref<102400xf32, #tpu.memory_space<hbm>> -> memref<20000xf32, #tpu.memory_space<hbm>>
    %dma_wait3A_64 = tpu.memref_slice %arg5[%mul3A_34] : memref<100000xf32, #tpu.memory_space<vmem>> -> memref<20000xf32, #tpu.memory_space<vmem>>
    %dma_wait3A_65 = tpu.memref_slice %arg2[%mul3A_34] : memref<102400xf32, #tpu.memory_space<hbm>> -> memref<20000xf32, #tpu.memory_space<hbm>>
    tpu.wait_dma2 semaphore(%arg8 : memref<!tpu.dma_semaphore, #tpu.memory_space<semaphore_mem>>) src(%dma_wait3A_65 : memref<20000xf32, #tpu.memory_space<hbm>>) dst(%dma_wait3A_64 : memref<20000xf32, #tpu.memory_space<vmem>>)
    %dma_wait3A_66 = tpu.memref_slice %arg5[%mul3A_44] : memref<100000xf32, #tpu.memory_space<vmem>> -> memref<20000xf32, #tpu.memory_space<vmem>>
    %dma_wait3A_67 = tpu.memref_slice %arg2[%mul3A_44] : memref<102400xf32, #tpu.memory_space<hbm>> -> memref<20000xf32, #tpu.memory_space<hbm>>
    %dma_wait3A_68 = tpu.memref_slice %arg5[%mul3A_44] : memref<100000xf32, #tpu.memory_space<vmem>> -> memref<20000xf32, #tpu.memory_space<vmem>>
    %dma_wait3A_69 = tpu.memref_slice %arg2[%mul3A_44] : memref<102400xf32, #tpu.memory_space<hbm>> -> memref<20000xf32, #tpu.memory_space<hbm>>
    tpu.wait_dma2 semaphore(%arg8 : memref<!tpu.dma_semaphore, #tpu.memory_space<semaphore_mem>>) src(%dma_wait3A_69 : memref<20000xf32, #tpu.memory_space<hbm>>) dst(%dma_wait3A_68 : memref<20000xf32, #tpu.memory_space<vmem>>)
    %broadcast_in_dim3A = arith.constant 0.000000e+00 : f32
    %broadcast_in_dim3A_70 = vector.broadcast %broadcast_in_dim3A : f32 to vector<16xf32>
    %scan3A = arith.constant 0 : i32
    %scan3A_71 = arith.constant 200 : i32
    %scan3A_72 = arith.addi %scan3A, %scan3A_71 : i32
    %scan3A_73 = arith.constant 1 : i32
    %scan3A_74:8 = scf.for %scan3A_93 = %scan3A to %scan3A_72 step %scan3A_73 iter_args(%scan3A_94 = %broadcast_in_dim3A_70, %scan3A_95 = %broadcast_in_dim3A_70, %scan3A_96 = %broadcast_in_dim3A_70, %scan3A_97 = %broadcast_in_dim3A_70, %scan3A_98 = %broadcast_in_dim3A_70, %scan3A_99 = %broadcast_in_dim3A_70, %scan3A_100 = %broadcast_in_dim3A_70, %scan3A_101 = %broadcast_in_dim3A_70) -> (vector<16xf32>, vector<16xf32>, vector<16xf32>, vector<16xf32>, vector<16xf32>, vector<16xf32>, vector<16xf32>, vector<16xf32>)  : i32 {
      %get3A = arith.index_cast %scan3A_93 : i32 to index
      %get3A_102 = arith.constant 0 : index
      %get3A_103 = tpu.vector_load %arg6[%get3A, %get3A_102] {strides = array<i32>} : memref<200x128xi32, #tpu.memory_space<vmem>>, vector<16xi32>,
      %gather3A = tpu.vector_load_idx %arg5[%get3A_103] : memref<100000xf32, #tpu.memory_space<vmem>>[vector<16xi32>], vector<16xf32>,
      %add3A_104 = arith.addf %scan3A_94, %gather3A : vector<16xf32>
      %get3A_105 = arith.index_cast %scan3A_93 : i32 to index
      %get3A_106 = arith.constant 16 : index
      %get3A_107 = tpu.vector_load %arg6[%get3A_105, %get3A_106] {strides = array<i32>} : memref<200x128xi32, #tpu.memory_space<vmem>>, vector<16xi32>,
      %gather3A_108 = tpu.vector_load_idx %arg5[%get3A_107] : memref<100000xf32, #tpu.memory_space<vmem>>[vector<16xi32>], vector<16xf32>,
      %add3A_109 = arith.addf %scan3A_95, %gather3A_108 : vector<16xf32>
      %get3A_110 = arith.index_cast %scan3A_93 : i32 to index
      %get3A_111 = arith.constant 32 : index
      %get3A_112 = tpu.vector_load %arg6[%get3A_110, %get3A_111] {strides = array<i32>} : memref<200x128xi32, #tpu.memory_space<vmem>>, vector<16xi32>,
      %gather3A_113 = tpu.vector_load_idx %arg5[%get3A_112] : memref<100000xf32, #tpu.memory_space<vmem>>[vector<16xi32>], vector<16xf32>,
      %add3A_114 = arith.addf %scan3A_96, %gather3A_113 : vector<16xf32>
      %get3A_115 = arith.index_cast %scan3A_93 : i32 to index
      %get3A_116 = arith.constant 48 : index
      %get3A_117 = tpu.vector_load %arg6[%get3A_115, %get3A_116] {strides = array<i32>} : memref<200x128xi32, #tpu.memory_space<vmem>>, vector<16xi32>,
      %gather3A_118 = tpu.vector_load_idx %arg5[%get3A_117] : memref<100000xf32, #tpu.memory_space<vmem>>[vector<16xi32>], vector<16xf32>,
      %add3A_119 = arith.addf %scan3A_97, %gather3A_118 : vector<16xf32>
      %get3A_120 = arith.index_cast %scan3A_93 : i32 to index
      %get3A_121 = arith.constant 64 : index
      %get3A_122 = tpu.vector_load %arg6[%get3A_120, %get3A_121] {strides = array<i32>} : memref<200x128xi32, #tpu.memory_space<vmem>>, vector<16xi32>,
      %gather3A_123 = tpu.vector_load_idx %arg5[%get3A_122] : memref<100000xf32, #tpu.memory_space<vmem>>[vector<16xi32>], vector<16xf32>,
      %add3A_124 = arith.addf %scan3A_98, %gather3A_123 : vector<16xf32>
      %get3A_125 = arith.index_cast %scan3A_93 : i32 to index
      %get3A_126 = arith.constant 80 : index
      %get3A_127 = tpu.vector_load %arg6[%get3A_125, %get3A_126] {strides = array<i32>} : memref<200x128xi32, #tpu.memory_space<vmem>>, vector<16xi32>,
      %gather3A_128 = tpu.vector_load_idx %arg5[%get3A_127] : memref<100000xf32, #tpu.memory_space<vmem>>[vector<16xi32>], vector<16xf32>,
      %add3A_129 = arith.addf %scan3A_99, %gather3A_128 : vector<16xf32>
      %get3A_130 = arith.index_cast %scan3A_93 : i32 to index
      %get3A_131 = arith.constant 96 : index
      %get3A_132 = tpu.vector_load %arg6[%get3A_130, %get3A_131] {strides = array<i32>} : memref<200x128xi32, #tpu.memory_space<vmem>>, vector<16xi32>,
      %gather3A_133 = tpu.vector_load_idx %arg5[%get3A_132] : memref<100000xf32, #tpu.memory_space<vmem>>[vector<16xi32>], vector<16xf32>,
      %add3A_134 = arith.addf %scan3A_100, %gather3A_133 : vector<16xf32>
      %get3A_135 = arith.index_cast %scan3A_93 : i32 to index
      %get3A_136 = arith.constant 112 : index
      %get3A_137 = tpu.vector_load %arg6[%get3A_135, %get3A_136] {strides = array<i32>} : memref<200x128xi32, #tpu.memory_space<vmem>>, vector<16xi32>,
      %gather3A_138 = tpu.vector_load_idx %arg5[%get3A_137] : memref<100000xf32, #tpu.memory_space<vmem>>[vector<16xi32>], vector<16xf32>,
      %add3A_139 = arith.addf %scan3A_101, %gather3A_138 : vector<16xf32>
      scf.yield %add3A_104, %add3A_109, %add3A_114, %add3A_119, %add3A_124, %add3A_129, %add3A_134, %add3A_139 : vector<16xf32>, vector<16xf32>, vector<16xf32>, vector<16xf32>, vector<16xf32>, vector<16xf32>, vector<16xf32>, vector<16xf32>
    }
    %scan3A_75 = arith.constant 200 : i32
    %swap3A = arith.constant 0 : index
    %swap3A_76 = tpu.vector_load %arg7[%swap3A] {strides = array<i32>} : memref<128xf32, #tpu.memory_space<vmem>>, vector<16xf32>,
    tpu.vector_store %arg7[%swap3A], %scan3A_74#0 {strides = array<i32>} : memref<128xf32, #tpu.memory_space<vmem>>, vector<16xf32>,
    %swap3A_77 = arith.constant 16 : index
    %swap3A_78 = tpu.vector_load %arg7[%swap3A_77] {strides = array<i32>} : memref<128xf32, #tpu.memory_space<vmem>>, vector<16xf32>,
    tpu.vector_store %arg7[%swap3A_77], %scan3A_74#1 {strides = array<i32>} : memref<128xf32, #tpu.memory_space<vmem>>, vector<16xf32>,
    %swap3A_79 = arith.constant 32 : index
    %swap3A_80 = tpu.vector_load %arg7[%swap3A_79] {strides = array<i32>} : memref<128xf32, #tpu.memory_space<vmem>>, vector<16xf32>,
    tpu.vector_store %arg7[%swap3A_79], %scan3A_74#2 {strides = array<i32>} : memref<128xf32, #tpu.memory_space<vmem>>, vector<16xf32>,
    %swap3A_81 = arith.constant 48 : index
    %swap3A_82 = tpu.vector_load %arg7[%swap3A_81] {strides = array<i32>} : memref<128xf32, #tpu.memory_space<vmem>>, vector<16xf32>,
    tpu.vector_store %arg7[%swap3A_81], %scan3A_74#3 {strides = array<i32>} : memref<128xf32, #tpu.memory_space<vmem>>, vector<16xf32>,
    %swap3A_83 = arith.constant 64 : index
    %swap3A_84 = tpu.vector_load %arg7[%swap3A_83] {strides = array<i32>} : memref<128xf32, #tpu.memory_space<vmem>>, vector<16xf32>,
    tpu.vector_store %arg7[%swap3A_83], %scan3A_74#4 {strides = array<i32>} : memref<128xf32, #tpu.memory_space<vmem>>, vector<16xf32>,
    %swap3A_85 = arith.constant 80 : index
    %swap3A_86 = tpu.vector_load %arg7[%swap3A_85] {strides = array<i32>} : memref<128xf32, #tpu.memory_space<vmem>>, vector<16xf32>,
    tpu.vector_store %arg7[%swap3A_85], %scan3A_74#5 {strides = array<i32>} : memref<128xf32, #tpu.memory_space<vmem>>, vector<16xf32>,
    %swap3A_87 = arith.constant 96 : index
    %swap3A_88 = tpu.vector_load %arg7[%swap3A_87] {strides = array<i32>} : memref<128xf32, #tpu.memory_space<vmem>>, vector<16xf32>,
    tpu.vector_store %arg7[%swap3A_87], %scan3A_74#6 {strides = array<i32>} : memref<128xf32, #tpu.memory_space<vmem>>, vector<16xf32>,
    %swap3A_89 = arith.constant 112 : index
    %swap3A_90 = tpu.vector_load %arg7[%swap3A_89] {strides = array<i32>} : memref<128xf32, #tpu.memory_space<vmem>>, vector<16xf32>,
    tpu.vector_store %arg7[%swap3A_89], %scan3A_74#7 {strides = array<i32>} : memref<128xf32, #tpu.memory_space<vmem>>, vector<16xf32>,
    %mul3A_91 = arith.constant 128 : i32
    %mul3A_92 = arith.muli %add3A, %mul3A_91 : i32
    "tpu.region"() ({
      %run_scoped3A = tpu.sem_alloc : memref<!tpu.dma_semaphore, #tpu.memory_space<semaphore_mem>>
      %dma_start3A_93 = tpu.memref_slice %arg4[%mul3A_92] : memref<4096xf32, #tpu.memory_space<hbm>> -> memref<128xf32, #tpu.memory_space<hbm>>
      %dma_start3A_94 = tpu.memref_slice %arg4[%mul3A_92] : memref<4096xf32, #tpu.memory_space<hbm>> -> memref<128xf32, #tpu.memory_space<hbm>>
      tpu.enqueue_dma source(%arg7 : memref<128xf32, #tpu.memory_space<vmem>>) target(%dma_start3A_94 : memref<128xf32, #tpu.memory_space<hbm>>) target_semaphore(%run_scoped3A : memref<!tpu.dma_semaphore, #tpu.memory_space<semaphore_mem>>)
      %dma_wait3A_95 = tpu.memref_slice %arg4[%mul3A_92] : memref<4096xf32, #tpu.memory_space<hbm>> -> memref<128xf32, #tpu.memory_space<hbm>>
      %dma_wait3A_96 = tpu.memref_slice %arg4[%mul3A_92] : memref<4096xf32, #tpu.memory_space<hbm>> -> memref<128xf32, #tpu.memory_space<hbm>>
      tpu.wait_dma2 semaphore(%run_scoped3A : memref<!tpu.dma_semaphore, #tpu.memory_space<semaphore_mem>>) src(%arg7 : memref<128xf32, #tpu.memory_space<vmem>>) dst(%dma_wait3A_96 : memref<128xf32, #tpu.memory_space<hbm>>)
      tpu.yield
    }) : () -> ()
    return
  }
}

module attributes {stable_mosaic.version = 14 : i64} {
  func.func @_score_body(%arg0: i32, %arg1: memref<64x51200xf32, #tpu.memory_space<vmem>>, %arg2: memref<1x64xf32, #tpu.memory_space<vmem>>, %arg3: memref<1x1xf32, #tpu.memory_space<smem>>, %arg4: memref<1x1x51200xf32, #tpu.memory_space<vmem>>) attributes {dimension_semantics = [#tpu.dimension_semantics<arbitrary>], iteration_bounds = array<i64: 2>, scalar_prefetch = 0 : i64, scratch_operands = 0 : i64, tpu.core_type = #tpu.core_type<tc>, window_params = [{transform_indices = @transform_0, window_bounds = array<i64: 64, 51200>}, {pipeline_mode = #tpu.pipeline_mode<synchronous>, transform_indices = @transform_1, window_bounds = array<i64: 1, 64>}, {transform_indices = @transform_2, window_bounds = array<i64: 1, 1>}, {transform_indices = @transform_3, window_bounds = array<i64: 1, 1, 51200>}]} {
    %get3A = arith.constant 0 : index
    %get3A_0 = arith.constant 0 : index
    %get3A_1 = vector.load %arg1[%get3A, %get3A_0] : memref<64x51200xf32, #tpu.memory_space<vmem>>, vector<64x51200xf32>
    %get3A_2 = arith.constant 0 : index
    %get3A_3 = arith.constant 0 : index
    %get3A_4 = vector.load %arg2[%get3A_2, %get3A_3] : memref<1x64xf32, #tpu.memory_space<vmem>>, vector<1x64xf32>
    %mul3A = arith.constant 5.000000e-03 : f32
    %mul3A_5 = vector.broadcast %mul3A : f32 to vector<1x64xf32>
    %mul3A_6 = arith.mulf %get3A_4, %mul3A_5 : vector<1x64xf32>
    %dot_general3A = arith.constant dense<0.000000e+00> : vector<1x51200xf32>
    %dot_general3A_7 = tpu.matmul %mul3A_6, %get3A_1, %dot_general3A {dimension_numbers = #tpu.dot_dimension_numbers<[1], [0], [0], [1], [0, 0, 1, 1], [], []>, transpose_lhs_hint = false} : vector<1x64xf32>, vector<64x51200xf32>, vector<1x51200xf32> -> vector<1x51200xf32>
    %get3A_8 = arith.constant 0 : index
    %get3A_9 = arith.constant 0 : index
    %get3A_10 = memref.load %arg3[%get3A_8, %get3A_9] : memref<1x1xf32, #tpu.memory_space<smem>>
    %mul3A_11 = arith.constant 5.000000e-03 : f32
    %mul3A_12 = arith.mulf %get3A_10, %mul3A_11 : f32
    %add3A = vector.broadcast %mul3A_12 : f32 to vector<1x51200xf32>
    %add3A_13 = arith.addf %dot_general3A_7, %add3A : vector<1x51200xf32>
    %reshape3A = vector.shape_cast %add3A_13 : vector<1x51200xf32> to vector<1x1x51200xf32>
    %swap3A = arith.constant 0 : index
    %swap3A_14 = arith.constant 0 : index
    %swap3A_15 = arith.constant 0 : index
    %swap3A_16 = vector.load %arg4[%swap3A, %swap3A_14, %swap3A_15] : memref<1x1x51200xf32, #tpu.memory_space<vmem>>, vector<1x1x51200xf32>
    tpu.vector_store %arg4[%swap3A, %swap3A_14, %swap3A_15], %reshape3A {strides = array<i32>} : memref<1x1x51200xf32, #tpu.memory_space<vmem>>, vector<1x1x51200xf32>,
    return
  }
  func.func @transform_0(%arg0: i32) -> (i32, i32) {
    %c0_i32 = arith.constant 0 : i32
    %c0_i32_0 = arith.constant 0 : i32
    return %c0_i32, %arg0 : i32, i32
  }
  func.func @transform_1(%arg0: i32) -> (i32, i32) {
    %c0_i32 = arith.constant 0 : i32
    %c0_i32_0 = arith.constant 0 : i32
    %c0_i32_1 = arith.constant 0 : i32
    return %c0_i32, %c0_i32_0 : i32, i32
  }
  func.func @transform_2(%arg0: i32) -> (i32, i32) {
    %c0_i32 = arith.constant 0 : i32
    %c0_i32_0 = arith.constant 0 : i32
    %c0_i32_1 = arith.constant 0 : i32
    return %c0_i32, %c0_i32_0 : i32, i32
  }
  func.func @transform_3(%arg0: i32) -> (i32, i32, i32) {
    %c0_i32 = arith.constant 0 : i32
    %c0_i32_0 = arith.constant 0 : i32
    %c0_i32_1 = arith.constant 0 : i32
    return %arg0, %c0_i32, %c0_i32_0 : i32, i32, i32
  }
}

</mosaic_0001>

<sc_bundles>
// kernel: kernel.4.cloned.1.call-start
scs
__scs_entry_jumppad:
0x0: {  	(pc) =	sbr.rel $0x88, $3  }
0x1: {  	(tag) =	ssettag $0x0;
	lr =	simm.s32 $0x1  }
0x2: {  	[smem:$0x3F9D] =	sst lr;
	_ =	strace $0xD0000000  }
0x3: {  	_ = 	snop  }
0x4: {  	_ = 	snop  }
0x5: {  	_ = 	snop  }
0x6: {  	_ = 	snop  }
0x7: {  	_ = 	snop  }
__scs_overlays_trampoline_lowered:
0x8: {  	[smem:$0x3FAC] =	sst s0  }
0x9: {  	[smem:$0x3FAD] =	sst s1  }
0xa: {  	[smem:$0x3FAE] =	sst s2  }
0xb: {  	[smem:$0x3FAF] =	sst s3  }
0xc: {  	[smem:$0x3FB0] =	sst s4  }
0xd: {  	[smem:$0x3FB1] =	sst s5  }
0xe: {  	[smem:$0x3FB2] =	sst s6  }
0xf: {  	[smem:$0x3FB3] =	sst s7  }
0x10: {  	[smem:$0x3FB4] =	sst s8  }
0x11: {  	[smem:$0x3FB5] =	sst s9;
	s0 =	simm.s32 @!p0 $0x0  }
0x12: {  	s1 =	sld [smem:$0x3F9B];
	s0 =	simm.s32 @p0 $0x1  }
0x13: {  	[smem:$0x3FB6] =	sst s0;
	s0 =	simm.s32 @!p1 $0x0  }
0x14: {  	s2 =	sld [smem:$0x3F9A];
	s0 =	simm.s32 @p1 $0x1  }
0x15: {  	[smem:$0x3FB7] =	sst s0;
	s0 =	simm.s32 @!p2 $0x0  }
0x16: {  	s3 =	sld [smem:$0x3FDB];
	s0 =	simm.s32 @p2 $0x1  }
0x17: {  	s4 =	simm.s32 $0x1BF5;
	[smem:$0x3FB9] =	sst s0  }
0x18: {  	s0 =	sld [smem:$0x3F9C];
	_ =	swait.ge [sflag:s4], $0x0  }
0x19: {  	s7 =	sld [smem:$0x3F9D]  }
0x1a: {  	s8 =	sadd.s32 $0xFFFFE003, lr  }
0x1b: {  	s9 =	sadd.s32 $0xFFFFFEF7, lr;
	s5 =	simm.s32 $0xFFFFFFFF;
	p2 =	slt.u32 s8, $0xFFFFF086  }
0x1c: {  	p1 =	slt.u32 s9, $0xF7A;
	s5 =	simm.s32 @!p2 $0x0  }
0x1d: {  	s5 =	simm.s32 @p1 $0x1;
	p0 =	seq.s32 s7, s2  }
0x1e: {  	s7 =	smul.u32 @!p0 $0xF7A, s2;
	p2 =	seq.s32 @!p0 s5, $0x0  }
0x1f: {  	s9 =	smul.u32 $0xF7A, s1;
	s8 =	simm.s32 @!p0 $0x1BF5;
	p2 =	por !p2, p0  }
0x20: {  	[sflag:s8] =	ssyncset.s32 @!p0 $0xFFFFF086;
	s6 =	sadd.s32 @!p0 s3, s7;
	s7 =	simm.s32 @!p0 $0x108  }
0x21: {  	s3 =	sadd.s32 s3, s9;
	s6 =	sadd.s32 @!p0 $0x88, s6;
	s7 =	simm.s32 @p2 $0x1082  }
0x22: {  	[simem:s7], [sflag:s8] =	dma.local @!p0 [hbm:s6], $0xF7A  }
0x23: {  	s9 =	sor.u32 $0xD0000000, s2;
	s6 =	simm.s32 $0x108;
	_ =	swait.ge @!p0 [sflag:s8], $0x0  }
0x24: {  	s3 =	sadd.s32 $0x88, s3;
	s6 =	simm.s32 @!p1 $0x1082;
	[sflag:s4] =	ssyncset.s32 $0xFFFFF086  }
0x25: {  	[simem:s6], [sflag:s4] =	dma.local [hbm:s3], $0xF7A  }
0x26: {  	[smem:$0x3F9D] =	sst s1;
	(tag) =	ssettag s2;
	_ =	strace s9  }
0x27: {  	s1 =	sld [smem:$0x3FAD]  }
0x28: {  	s2 =	sld [smem:$0x3FAE]  }
0x29: {  	s4 =	sld [smem:$0x3FB0]  }
0x2a: {  	p0 =	seq.s32 s5, $0x0;
	s5 =	sld [smem:$0x3FB1]  }
0x2b: {  	s6 =	sld [smem:$0x3FB2]  }
0x2c: {  	s7 =	sld [smem:$0x3FB3]  }
0x2d: {  	s3 =	simm.s32 $0x108;
	s8 =	sld [smem:$0x3FB4]  }
0x2e: {  	s3 =	simm.s32 @!p0 $0x1082;
	s9 =	sld [smem:$0x3FB5]  }
0x2f: {  	lr =	sadd.s32 s0, s3;
	s0 =	sld [smem:$0x3FAC]  }
0x30: {  	s3 =	sld [smem:$0x3FAF]  }
0x31: {  	[smem:$0x3FB8] =	sst s10  }
0x32: {  	s10 =	sld [smem:$0x3FB6];
	_ =	sdelay $0x3  }
0x33: {  	p0 =	seq.s32 s10, $0x1;
	s10 =	sld [smem:$0x3FB8];
	_ =	sdelay $0x3  }
0x34: {  	[smem:$0x3FB8] =	sst s10  }
0x35: {  	s10 =	sld [smem:$0x3FB7];
	_ =	sdelay $0x3  }
0x36: {  	p1 =	seq.s32 s10, $0x1;
	s10 =	sld [smem:$0x3FB8];
	_ =	sdelay $0x3  }
0x37: {  	[smem:$0x3FB8] =	sst s10  }
0x38: {  	s10 =	sld [smem:$0x3FB9]  }
0x39: {  	_ = 	snop;
	(pc) =	sbr.ind lr, $3  }
0x3a: {  	_ = 	snop  }
0x3b: {  	_ = 	snop  }
0x3c: {  	p2 =	seq.s32 s10, $0x1;
	s10 =	sld [smem:$0x3FB8]  }
0x3d: {  	_ =	shalt  }
0x3e: {  	_ =	shalt  }
0x3f: {  	_ =	shalt  }
0x40: {  	_ =	shalt  }
0x41: {  	_ =	shalt  }
0x42: {  	_ =	shalt  }
0x43: {  	_ =	shalt  }
0x44: {  	_ =	shalt  }
0x45: {  	_ =	shalt  }
0x46: {  	_ =	shalt  }
0x47: {  	_ =	shalt  }
0x48: {  	_ =	shalt  }
0x49: {  	_ =	shalt  }
0x4a: {  	_ =	shalt  }
0x4b: {  	_ =	shalt  }
0x4c: {  	_ =	shalt  }
0x4d: {  	_ =	shalt  }
0x4e: {  	_ =	shalt  }
0x4f: {  	_ =	shalt  }
0x50: {  	_ =	shalt  }
0x51: {  	_ =	shalt  }
0x52: {  	_ =	shalt  }
0x53: {  	_ =	shalt  }
0x54: {  	_ =	shalt  }
0x55: {  	_ =	shalt  }
0x56: {  	_ =	shalt  }
0x57: {  	_ =	shalt  }
0x58: {  	_ =	shalt  }
0x59: {  	_ =	shalt  }
0x5a: {  	_ =	shalt  }
0x5b: {  	_ =	shalt  }
0x5c: {  	_ =	shalt  }
0x5d: {  	_ =	shalt  }
0x5e: {  	_ =	shalt  }
0x5f: {  	_ =	shalt  }
0x60: {  	_ =	shalt  }
0x61: {  	_ =	shalt  }
0x62: {  	_ =	shalt  }
0x63: {  	_ =	shalt  }
0x64: {  	_ =	shalt  }
0x65: {  	_ =	shalt  }
0x66: {  	_ =	shalt  }
0x67: {  	_ =	shalt  }
0x68: {  	_ =	shalt  }
0x69: {  	_ =	shalt  }
0x6a: {  	_ =	shalt  }
0x6b: {  	_ =	shalt  }
0x6c: {  	_ =	shalt  }
0x6d: {  	_ =	shalt  }
0x6e: {  	_ =	shalt  }
0x6f: {  	_ =	shalt  }
0x70: {  	_ =	shalt  }
0x71: {  	_ =	shalt  }
0x72: {  	_ =	shalt  }
0x73: {  	_ =	shalt  }
0x74: {  	_ =	shalt  }
0x75: {  	_ =	shalt  }
0x76: {  	_ =	shalt  }
0x77: {  	_ =	shalt  }
0x78: {  	_ =	shalt  }
0x79: {  	_ =	shalt  }
0x7a: {  	_ =	shalt  }
0x7b: {  	_ =	shalt  }
0x7c: {  	_ =	shalt  }
0x7d: {  	_ =	shalt  }
0x7e: {  	_ =	shalt  }
0x7f: {  	_ =	shalt  }
0x80: {  	_ =	shalt  }
0x81: {  	_ =	shalt  }
0x82: {  	_ =	shalt  }
0x83: {  	_ =	shalt  }
0x84: {  	_ =	shalt  }
0x85: {  	_ =	shalt  }
0x86: {  	_ =	shalt  }
0x87: {  	_ =	shalt  }
.Lfunc_end0:
.L_simem_size_0:
called_computation_lowered:
.L_overlay_start_0:
0x88: {  	s2 =	sld [smem:$0x3FD9]  }
0x89: {  	s3 =	sld [smem:$0x3FFE];
	_ =	sdelay $0x1  }
0x8a: {  	s1 =	srdreg.scid  }
0x8b: {  	s0 =	sand.u32 $0x1, s1  }
0x8c: {  	s17 =	sshll.u32 s0, $0xA;
	s2 =	sadd.s32 s3, s2  }
0x8d: {  	s2 =	sadd.s32 s2, s17  }
0x8e: {  	[smem:$0x3FC4] =	sst s2  }
0x8f: {  	_ = 	snop  }
0x90: {  	s2 =	sld [smem:$0x3FC9]  }
0x91: {  	s18 =	sld [smem:$0x3FD0];
	(tm) =	ssettm $0x1  }
0x92: {  	s4 =	sld [smem:$0x3FFB];
	_ =	sdelay $0x3  }
0x93: {  	_ =	strace s4  }
0x94: {  	s4 =	sld [smem:$0x3FFC];
	_ =	sdelay $0x3  }
0x95: {  	_ =	strace s4  }
0x96: {  	s4 =	sld [smem:$0x3FFD];
	_ =	sdelay $0x3  }
0x97: {  	_ =	strace s4  }
0x98: {  	_ =	strace $0x8FFFFFFF  }
0x99: {  	s19 =	sld [smem:$0x3FDB];
	_ =	sdelay $0x1  }
0x9a: {  	s5 =	simm.s32 $_scs_section_size  }
0x9b: {  	s6 =	simm.s32 $_size__tile_overlayer_lowered;
	s7 =	simm.s32 $_tile_overlayer_lowered  }
0x9c: {  	s22 =	simm.s32 $0x1BFF;
	s21 =	sshll.u32 s7, $0x1;
	s4 =	sadd.s32 s5, s19  }
0x9d: {  	s8 =	simm.s32 $0x0;
	s20 =	sshll.u32 s6, $0x1;
	s6 =	sadd.s32 s21, s4  }
0x9e: {  	[timem:s8], [sflag:s22] =	dma.local [hbm:s6], s20  }
0x9f: {  	_ =	swait.ge [sflag:s22], s20  }
0xa0: {  	s5 =	ssub.s32 $0x0, s20;
	[sflag:s22] =	ssyncset.done $0x0  }
0xa1: {  	[sflag:s22] =	ssyncadd.s32 s5;
	_ =	sdelay $0x1  }
0xa2: {  	s23 =	simm.s32 $0x1B8B  }
0xa3: {  	_ =	swait.ge [sflag:s23], $0x1  }
0xa4: {  	[sflag:s23] =	ssyncset.done $0x0  }
0xa5: {  	s25 =	simm.s32 $0x1B8E;
	s24 =	sld [smem:$0x3FFE];
	[sflag:s23] =	ssyncadd.s32 $0xFFFFFFFF  }
0xa6: {  	s26 =	simm.s32 $execute0_lowered;
	[smem:$0x3FD2] =	sst s25  }
0xa7: {  	s6 =	sshll.u32 s26, $0x1;
	_ =	strace $0x80000046;
	[dreg:$0x1] =	wrdreg $0xFFFFFFFF  }
0xa8: {  	s28 =	simm.s32 $_size_execute0_lowered;
	s4 =	sadd.s32 s4, s6;
	[dreg:$0x0] =	wrdreg $0x0  }
0xa9: {  	s6 =	sshll.u32 s28, $0x1;
	[dreg:$0x2] =	wrdreg s4  }
0xaa: {  	[dreg:$0x3] =	wrdreg s6  }
0xab: {  	[dreg:$0x4] =	wrdreg $0xC0  }
0xac: {  	_ =	task [dreg:s8], $0x5FFFF  }
0xad: {  	[dreg:$0x1] =	wrdreg $0xFFFFFFFF  }
0xae: {  	[dreg:$0x0] =	wrdreg $0x60  }
0xaf: {  	[dreg:$0x2] =	wrdreg s24  }
0xb0: {  	[dreg:$0x3] =	wrdreg s2  }
0xb1: {  	[dreg:$0x4] =	wrdreg s18  }
0xb2: {  	[dreg:$0x5] =	wrdreg $0x9  }
0xb3: {  	_ =	task.clear_ibuf [dreg:s8], $0x6FFFF;
	_ =	strace $0x90000046  }
0xb4: {  	s29 =	simm.s32 $0x9;
	_ =	strace $0x80000048  }
0xb5: {  	_ =	swait.ge [sflag:s29], $0x1  }
0xb6: {  	[sflag:s29] =	ssyncadd.s32 $0xFFFFFFFF  }
0xb7: {  	_ =	strace $0x90000048  }
0xb8: {  	_ =	sfence  }
0xb9: {  	s30 =	sld [smem:$0x0];
	_ =	sdelay $0x2  }
0xba: {  	s31 =	sshll.u32 s1, $0xD;
	s1 =	sshrl.u32 s1, $0x2  }
0xbb: {  	s3 =	sand.u32 $0x4000, s31;
	s1 =	sadd.s32 s1, s30  }
0xbc: {  	s0 =	sor.u32 s3, s0;
	s1 =	sshll.u32 s1, $0x11  }
0xbd: {  	s0 =	sor.u32 s1, s0  }
0xbe: {  	s0 =	sadd.s32 $0x8F2B, s0  }
0xbf: {  	[sflag:s0] =	ssyncadd.remote.s32 $0x1  }
0xc0: {  	_ =	sfence.sel $0xFFFF  }
0xc1: {  	[dreg:$0x0] =	wrdreg $0xFFFFFFFF;
	(pc) =	sbr.abs _section_cstart, $3  }
0xc2: {  	[dreg:$0x1] =	wrdreg $0xFFFFFFFF  }
0xc3: {  	_ =	task.clear_ibuf [dreg:s8], $0x2FFFF;
	_ =	strace $0x9FFFFFFF  }
0xc4: {  	(tm) =	ssettm $0x7FFFFFFF  }
0xc5: {  	_ =	shalt  }
tec
execute0_lowered:
.L_overlay_start_1:
0x0: {  	(tag) =	ssettag $0x1  }
0x1: {  	s5 =	rddreg [dreg:$0x0]  }
0x2: {  	s1 =	srdreg.scid;
	s13 =	rddreg [dreg:$0x1]  }
0x3: {  	s0 =	stileid.u32;
	s15 =	rddreg [dreg:$0x2];
	s2 =	simm.s32 $0x0  }
0x4: {  	s19 =	simm.s32 $0x2;
	s3 =	sand.u32 $0x1, s1;
	s1 =	rddreg [dreg:$0x3]  }
0x5: {  	s20 =	sshll.u32 s0, $0x1;
	[smem:$0x7FF] =	sst s2;
	s12 =	sadd.s32 $0x800, s5  }
0x6: {  	s14 =	sor.u32 s3, s20;
	_ =	strace $0x80000047;
	s8 =	ssub.s32 $0x2, s3  }
0x7: {  	s4 =	smul.u32 $0x34, s14;
	s23 =	sshrl.u32 s8, $0x1;
	s18 =	sshll.u32 s14, $0x7  }
0x8: {  	s20 =	simm.s32 $0x1;
	s16 =	ssub.s32 s8, s23;
	s13 =	sadd.s32 s13, s18  }
0x9: {  	s21 =	sshrl.u32 s4, $0x8;
	s7 =	sadd.s32 $0x34, s4;
	s25 =	sadd.s32 $0x68, s4  }
0xa: {  	s26 =	sadd.s32 $0x9C, s4;
	s6 =	smul.u32 $0x5, s21;
	s5 =	sshrl.u32 s25, $0x8  }
0xb: {  	s4 =	sadd.s32 $0xD0, s4;
	s8 =	sshrl.u32 s26, $0x8;
	s5 =	smul.u32 $0x5, s5  }
0xc: {  	s4 =	sshrl.u32 s4, $0x8;
	s8 =	smul.u32 $0x5, s8;
	s6 =	ssub.s32 s14, s6  }
0xd: {  	s18 =	simm.s32 $0x18700;
	s9 =	smul.u32 $0x5, s4;
	s6 =	sand.u32 $0xFF, s6  }
0xe: {  	s22 =	sshrl.u32 s7, $0x8;
	s21 =	simm.s32 $0x1EB00;
	s3 =	smul.u32 $0x4E20, s6  }
0xf: {  	s5 =	ssub.s32 s14, s5;
	s29 =	ssub.s32 s14, s9;
	s6 =	smul.u32 $0x5, s22  }
0x10: {  	s28 =	ssub.s32 s14, s8;
	s5 =	sadd.s32 $0x2, s5;
	s8 =	sadd.s32 $0x4, s29  }
0x11: {  	s22 =	simm.s32 $0x0;
	s5 =	sand.u32 $0xFF, s5;
	s6 =	ssub.s32 s14, s6  }
0x12: {  	s8 =	sand.u32 $0xFF, s8;
	s5 =	smul.u32 $0x4E20, s5;
	s6 =	sadd.s32 $0x1, s6  }
0x13: {  	s24 =	sshrl.u32 s3, $0x3;
	s8 =	smul.u32 $0x4E20, s8;
	s6 =	sand.u32 $0xFF, s6  }
0x14: {  	s14 =	sshll.u32 s14, $0x4;
	s4 =	smul.u32 $0x4E20, s6;
	s6 =	sadd.s32 $0x3, s28  }
0x15: {  	s14 =	sadd.s32 s15, s14;
	s15 =	smax.u32 s16, $0x1;
	s30 =	sand.u32 $0xFF, s6  }
0x16: {  	s16 =	simm.s32 $0x400;
	s10 =	sshrl.u32 s5, $0x3;
	s7 =	smul.u32 $0x4E20, s30  }
0x17: {  	s17 =	sshrl.u32 s8, $0x3;
	s10 =	sadd.s32 s12, s10;
	s31 =	sshrl.u32 s4, $0x3  }
0x18: {  	s6 =	sadd.s32 s12, s24;
	s9 =	sadd.s32 s12, s31;
	s11 =	sshrl.u32 s7, $0x3  }
0x19: {  	s11 =	sadd.s32 s12, s11;
	s12 =	sadd.s32 s12, s17;
	s17 =	simm.s32 $0x8000  }
.LBB2_1:
0x1a: {  	[tilespmem:s3], [sflag:$0x1] =	stream.linear.gather [hbm4b:s6+s2], $0x4E20, $0x38;
	[tilespmem:$0x1EB80] =	vst v63  }
0x1b: {  	_ = 	snop  }
0x1c: {  	[tilespmem:s4], [sflag:$0x1] =	stream.linear.gather [hbm4b:s9+s2], $0x4E20, $0x38;
	[tilespmem:$0x1EB80] =	vst v63  }
0x1d: {  	_ = 	snop  }
0x1e: {  	[tilespmem:s5], [sflag:$0x1] =	stream.linear.gather [hbm4b:s10+s2], $0x4E20, $0x38;
	[tilespmem:$0x1EB80] =	vst v63  }
0x1f: {  	_ = 	snop  }
0x20: {  	[tilespmem:s7], [sflag:$0x1] =	stream.linear.gather [hbm4b:s11+s2], $0x4E20, $0x38;
	[tilespmem:$0x1EB80] =	vst v63  }
0x21: {  	_ = 	snop  }
0x22: {  	[tilespmem:s8], [sflag:$0x1] =	stream.linear.gather [hbm4b:s12+s2], $0x4E20, $0x38;
	[tilespmem:$0x1EB80] =	vst v63  }
0x23: {  	_ = 	snop  }
0x24: {  	[tilespmem:s18], [sflag:$0x2] =	stream.strided.gather [hbm4b:s13+s16], $0x6400, s17, s16, $0x38;
	[tilespmem:$0x1EB80] =	vst v63  }
0x25: {  	_ =	swait.ge [sflag:s19], $0x6400  }
0x26: {  	[sflag:s19] =	ssyncset.done $0x0  }
0x27: {  	[sflag:s19] =	ssyncadd.s32 $0xFFFF9C00  }
0x28: {  	_ =	swait.ge [sflag:s20], $0x4E20  }
0x29: {  	[sflag:s20] =	ssyncset.done $0x0  }
0x2a: {  	[sflag:s20] =	ssyncadd.s32 $0xFFFFB1E0  }
0x2b: {  	_ =	swait.ge [sflag:s20], $0x4E20  }
0x2c: {  	[sflag:s20] =	ssyncset.done $0x0  }
0x2d: {  	[sflag:s20] =	ssyncadd.s32 $0xFFFFB1E0  }
0x2e: {  	_ =	swait.ge [sflag:s20], $0x4E20  }
0x2f: {  	[sflag:s20] =	ssyncset.done $0x0  }
0x30: {  	[sflag:s20] =	ssyncadd.s32 $0xFFFFB1E0  }
0x31: {  	_ =	swait.ge [sflag:s20], $0x4E20  }
0x32: {  	[sflag:s20] =	ssyncset.done $0x0  }
0x33: {  	[sflag:s20] =	ssyncadd.s32 $0xFFFFB1E0  }
0x34: {  	_ =	swait.ge [sflag:s20], $0x4E20  }
0x35: {  	[sflag:s20] =	ssyncset.done $0x0  }
0x36: {  	s23 =	simm.s32 $0x0;
	[sflag:s20] =	ssyncadd.s32 $0xFFFFB1E0  }
0x37: {  	v0 =	vld [tilespmem:s23+$0x18770]  }
0x38: {  	v1 =	vld [tilespmem:s23+$0x18700]  }
0x39: {  	v2 =	vld [tilespmem:s23+$0x18710]  }
0x3a: {  	v3 =	vld [tilespmem:s23+$0x18720]  }
0x3b: {  	v4 =	vld [tilespmem:s23+$0x18730]  }
0x3c: {  	v5 =	vld [tilespmem:s23+$0x18740]  }
0x3d: {  	v6 =	vld [tilespmem:s23+$0x18750]  }
0x3e: {  	v11 =	vld [tilespmem:s23+$0x18760]  }
0x3f: {  	v0 =	vld.idx.msk [tilespmem:v0+s2+$0x0], $0xffff  }
0x40: {  	v1 =	vld.idx.msk [tilespmem:v1+s2+$0x0], $0xffff  }
0x41: {  	v13 =	vld.idx.msk [tilespmem:v2+s2+$0x0], $0xffff  }
0x42: {  	v12 =	vld.idx.msk [tilespmem:v3+s2+$0x0], $0xffff  }
0x43: {  	v10 =	vld.idx.msk [tilespmem:v4+s2+$0x0], $0xffff  }
0x44: {  	v7 =	vimm.f32 $0.0e+00;
	v2 =	vimm.f32 $0.0e+00;
	v9 =	vld.idx.msk [tilespmem:v5+s2+$0x0], $0xffff  }
0x45: {  	v8 =	vld.idx.msk [tilespmem:v6+s2+$0x0], $0xffff;
	v4 =	vimm.f32 $0.0e+00;
	v6 =	vimm.f32 $0.0e+00;
	v3 =	vimm.f32 $0.0e+00  }
0x46: {  	s24 =	simm.s32 $0x80;
	s23 =	simm.s32 $0x400;
	v11 =	vld.idx.msk [tilespmem:v11+s2+$0x0], $0xffff;
	v0 =	vadd.f32 v0, v2;
	v5 =	vadd.f32 v1, v2;
	v1 =	vimm.f32 $0.0e+00  }
.LBB2_2:
0x47: {  	p0 =	sne.s32 s23, $0x18E00;
	v14 =	vld [tilespmem:s24+$0x18770];
	v2 =	vadd.f32 v13, v2  }
0x48: {  	v7 =	vadd.f32 v12, v7;
	v13 =	vld [tilespmem:s24+$0x18700]  }
0x49: {  	v4 =	vadd.f32 v10, v4;
	v12 =	vld [tilespmem:s24+$0x18710]  }
0x4a: {  	v6 =	vadd.f32 v9, v6;
	v10 =	vld [tilespmem:s24+$0x18720]  }
0x4b: {  	v3 =	vadd.f32 v8, v3;
	v9 =	vld [tilespmem:s24+$0x18730]  }
0x4c: {  	v1 =	vadd.f32 v11, v1;
	v8 =	vld [tilespmem:s24+$0x18740]  }
0x4d: {  	v11 =	vld [tilespmem:s24+$0x18750]  }
0x4e: {  	v15 =	vld [tilespmem:s24+$0x18760]  }
0x4f: {  	v14 =	vld.idx.msk [tilespmem:v14+s2+$0x0], $0xffff  }
0x50: {  	v16 =	vld.idx.msk [tilespmem:v13+s2+$0x0], $0xffff  }
0x51: {  	v13 =	vld.idx.msk [tilespmem:v12+s2+$0x0], $0xffff  }
.Ltmp0:
0x52: {  	v12 =	vld.idx.msk [tilespmem:v10+s2+$0x0], $0xffff;
	(pc) =	sbr.rel @p0 .LBB2_2-.Ltmp0, $4  }
0x53: {  	v10 =	vld.idx.msk [tilespmem:v9+s2+$0x0], $0xffff  }
0x54: {  	v9 =	vld.idx.msk [tilespmem:v8+s2+$0x0], $0xffff  }
0x55: {  	v0 =	vadd.f32 v14, v0;
	v8 =	vld.idx.msk [tilespmem:v11+s2+$0x0], $0xffff  }
0x56: {  	s24 =	sshra.s32 s23, $0x2;
	s23 =	sadd.s32 $0x200, s23;
	v5 =	vadd.f32 v16, v5;
	v11 =	vld.idx.msk [tilespmem:v15+s2+$0x0], $0xffff  }
0x57: {  	v15 =	vld [tilespmem:s24+$0x18700]  }
0x58: {  	v16 =	vld [tilespmem:s24+$0x18710]  }
0x59: {  	v17 =	vld [tilespmem:s24+$0x18720]  }
0x5a: {  	v18 =	vld [tilespmem:s24+$0x18730]  }
0x5b: {  	v19 =	vld [tilespmem:s24+$0x18740]  }
0x5c: {  	v20 =	vld [tilespmem:s24+$0x18750]  }
0x5d: {  	v21 =	vld [tilespmem:s24+$0x18760]  }
0x5e: {  	v14 =	vld [tilespmem:s24+$0x18770]  }
0x5f: {  	v15 =	vld.idx.msk [tilespmem:v15+s2+$0x0], $0xffff  }
0x60: {  	v16 =	vld.idx.msk [tilespmem:v16+s2+$0x0], $0xffff  }
0x61: {  	v17 =	vld.idx.msk [tilespmem:v17+s2+$0x0], $0xffff  }
0x62: {  	v18 =	vld.idx.msk [tilespmem:v18+s2+$0x0], $0xffff  }
0x63: {  	v2 =	vadd.f32 v13, v2;
	v60 =	vld.idx.msk [tilespmem:v19+s2+$0x0], $0xffff  }
0x64: {  	v7 =	vadd.f32 v12, v7;
	v61 =	vld.idx.msk [tilespmem:v20+s2+$0x0], $0xffff;
	v5 =	vadd.f32 v15, v5  }
0x65: {  	v4 =	vadd.f32 v10, v4;
	v62 =	vld.idx.msk [tilespmem:v21+s2+$0x0], $0xffff;
	v2 =	vadd.f32 v16, v2  }
0x66: {  	v6 =	vadd.f32 v9, v6;
	v14 =	vld.idx.msk [tilespmem:v14+s2+$0x0], $0xffff;
	v7 =	vadd.f32 v17, v7;
	[tilespmem:$0x1EB00] =	vst v5  }
0x67: {  	v3 =	vadd.f32 v8, v3;
	v4 =	vadd.f32 v18, v4;
	[tilespmem:$0x1EB10] =	vst v2  }
0x68: {  	v1 =	vadd.f32 v11, v1;
	v63 =	vadd.f32 v60, v6;
	[tilespmem:$0x1EB20] =	vst v7  }
0x69: {  	v3 =	vadd.f32 v61, v3;
	[tilespmem:$0x1EB30] =	vst v4  }
0x6a: {  	v1 =	vadd.f32 v62, v1;
	[tilespmem:$0x1EB40] =	vst v63  }
0x6b: {  	s22 =	sadd.s32 $0x1, s22;
	v0 =	vadd.f32 v14, v0;
	[tilespmem:$0x1EB50] =	vst v3  }
0x6c: {  	p0 =	sne.s32 s22, s15;
	[tilespmem:$0x1EB60] =	vst v1  }
.Ltmp1:
0x6d: {  	[tilespmem:$0x1EB70] =	vst v0;
	(pc) =	sbr.rel @p0 .LBB2_1-.Ltmp1, $4  }
0x6e: {  	[hbm4b:s14+s2] =	stream.linear.scatter [tilespmem:s21], [sflag:$0x2], $0x80, $0x38;
	[tilespmem:$0x1EB80] =	vst v63  }
0x6f: {  	_ =	swait.ge [sflag:s19], $0x80  }
0x70: {  	[sflag:s19] =	ssyncset.done $0x0  }
0x71: {  	[sflag:s19] =	ssyncadd.s32 $0xFFFFFF80  }
0x72: {  	_ =	sfence.sel $0x180000  }
0x73: {  	[bflag:$0x0] =	sbarrier.arrive $0xFFFF  }
0x74: {  	p0 =	sne.s32 s0, $0x0;
	_ =	strace $0x90000047  }
0x75: {  	s0 =	sadd.s32 @!p0 $0x100000, s1;
	[bflag:$0x2] =	sbarrier.arrive $0xFFFF  }
0x76: {  	[sflag:s0] =	ssyncadd.tile.s32 @!p0 $0x1;
	_ =	shalt  }
.Lfunc_end2:
_tile_overlayer_lowered:
.L_overlay_start_2:
0x77: {  	(tag) =	ssettag $0x2  }
0x78: {  	s0 =	rddreg [dreg:$0x0];
	s2 =	stileid.u32  }
0x79: {  	s1 =	rddreg [dreg:$0x1];
	p0 =	sne.s32 s2, $0x0  }
0x7a: {  	s3 =	rddreg [dreg:$0x2];
	[bflag:$0x3] =	sbarrier.arrive $0xFFFF;
	s2 =	simm.s32 @!p0 $0x1C02  }
0x7b: {  	[timem:s3], [sflag:s2] =	dma.local @!p0 [hbm:s0], s1  }
0x7c: {  	s0 =	simm.s32 @!p0 $0x2  }
0x7d: {  	_ =	swait.ge @!p0 [sflag:s0], s1  }
0x7e: {  	s1 =	ssub.s32 @!p0 $0x0, s1;
	[sflag:s0] =	ssyncset.done @!p0 $0x0  }
0x7f: {  	[sflag:s0] =	ssyncadd.s32 @!p0 s1  }
0x80: {  	[bflag:$0x3] =	sbarrier.arrive $0xFFFF  }
0x81: {  	_ =	shalt  }

</sc_bundles>
